<compile_context>
chip_gen: v7x
topology: tpu7x:2x2x1
jax: 0.10.2.dev20260603
libtpu: 0.0.44.dev20260713+nightly
codegen_flags: <defaults>
</compile_context>

<pallas_src>
import functools

import jax
import jax.numpy as jnp
from jax import lax
from jax.experimental import pallas as pl
from jax.experimental.pallas import tpu as pltpu
from jax.experimental.pallas import tpu_sc as plsc

_MB = 1024
_KC = 2048


def _argmin_body(x_ref, c_ref, w_in_ref, b_in_ref, idx_ref):
    K = c_ref.shape[0]
    xb = x_ref[0]
    p = jnp.dot(w_in_ref[...], xb, preferred_element_type=jnp.float32)
    p = p + b_in_ref[...]

    cnorm = jnp.sum(c_ref[...] * c_ref[...], axis=1, keepdims=True)

    run_min = jnp.full((1, _MB), jnp.inf, dtype=jnp.float32)
    run_idx = jnp.zeros((1, _MB), dtype=jnp.int32)
    for k0 in range(0, K, _KC):
        d = cnorm[k0:k0 + _KC, :] - 2.0 * jnp.dot(
            c_ref[pl.ds(k0, _KC), :], p,
            preferred_element_type=jnp.float32)
        mnc = jnp.min(d, axis=0, keepdims=True)
        iota = lax.broadcasted_iota(jnp.int32, (_KC, _MB), 0) + k0
        idxc = jnp.min(jnp.where(d == mnc, iota, K), axis=0, keepdims=True)
        better = mnc < run_min
        run_idx = jnp.where(better, idxc, run_idx)
        run_min = jnp.minimum(run_min, mnc)
    idx_ref[0, 0] = run_idx[0]


def _proj_out_body(rows_ref, idx_ref, w_out_ref, b_out_ref, out_ref,
                   near_ref):
    L = near_ref.shape[2]
    rows = rows_ref[0]
    sub = idx_ref[0, 0][:, None] & 3
    nb = jnp.zeros((rows.shape[0], L), dtype=jnp.float32)
    for q in range(4):
        nb = nb + jnp.where(sub == q, rows[:, q * L:(q + 1) * L], 0.0)
    near_ref[0] = nb
    out_t = lax.dot_general(w_out_ref[...], nb,
                            (((1,), (1,)), ((), ())),
                            preferred_element_type=jnp.float32)
    out_ref[0] = out_t + b_out_ref[...]


def _make_sc_gather(Vq, D, B):
    info = plsc.get_sparse_core_info()
    nw = info.num_subcores
    b_per_w = B // nw
    mesh = plsc.VectorSubcoreMesh(core_axis_name="c", subcore_axis_name="s",
                                  num_cores=1)

    @functools.partial(
        pl.kernel, mesh=mesh,
        out_type=jax.ShapeDtypeStruct((B, D), jnp.float32),
        scratch_types=[
            pltpu.VMEM((b_per_w,), jnp.int32),
            pltpu.VMEM((b_per_w,), jnp.int32),
            pltpu.VMEM((b_per_w, D), jnp.float32),
            pltpu.SemaphoreType.DMA,
        ],
    )
    def gather(table_hbm, idx_hbm, out_hbm, idx_v, idxq_v, rows_v, sem):
        wid = lax.axis_index("s")
        base = wid * b_per_w
        pltpu.sync_copy(idx_hbm.at[pl.ds(base, b_per_w)], idx_v)
        idxq_v[...] = idx_v[...] >> 2
        pltpu.async_copy(table_hbm.at[idxq_v], rows_v, sem).wait()
        pltpu.sync_copy(rows_v, out_hbm.at[pl.ds(base, b_per_w)])

    return gather


def kernel(x, codebook, W_in, b_in, W_out, b_out):
    b, c, h, w = x.shape
    hw = h * w
    K, L = codebook.shape[2], codebook.shape[3]
    xf = x.reshape(b, c, hw)
    C = codebook.reshape(K, L)
    n_blocks = b * (hw // _MB)

    grid = (b, hw // _MB)
    idx3 = pl.pallas_call(
        _argmin_body,
        grid=grid,
        in_specs=[
            pl.BlockSpec((1, c, _MB), lambda i, j: (i, 0, j)),
            pl.BlockSpec((K, L), lambda i, j: (0, 0)),
            pl.BlockSpec((L, c), lambda i, j: (0, 0)),
            pl.BlockSpec((L, 1), lambda i, j: (0, 0)),
        ],
        out_specs=pl.BlockSpec((1, 1, _MB),
                               lambda i, j: (i * (hw // _MB) + j, 0, 0)),
        out_shape=jax.ShapeDtypeStruct((n_blocks, 1, _MB), jnp.int32),
        compiler_params=pltpu.CompilerParams(
            dimension_semantics=("parallel", "parallel")),
    )(xf, C, W_in, b_in.reshape(L, 1))

    idx_flat = idx3.reshape(b * hw)
    DP = 128
    Cq = C.reshape(K * L // DP, DP)
    rows_flat = _make_sc_gather(Cq.shape[0], DP, b * hw)(Cq, idx_flat)
    rows = rows_flat.reshape(b, hw, DP)

    out_t, nearest = pl.pallas_call(
        _proj_out_body,
        grid=grid,
        in_specs=[
            pl.BlockSpec((1, _MB, DP), lambda i, j: (i, j, 0)),
            pl.BlockSpec((1, 1, _MB),
                         lambda i, j: (i * (hw // _MB) + j, 0, 0)),
            pl.BlockSpec((c, L), lambda i, j: (0, 0)),
            pl.BlockSpec((c, 1), lambda i, j: (0, 0)),
        ],
        out_specs=[
            pl.BlockSpec((1, c, _MB), lambda i, j: (i, 0, j)),
            pl.BlockSpec((1, _MB, L), lambda i, j: (i, j, 0)),
        ],
        out_shape=[
            jax.ShapeDtypeStruct((b, c, hw), jnp.float32),
            jax.ShapeDtypeStruct((b, hw, L), jnp.float32),
        ],
        compiler_params=pltpu.CompilerParams(
            dimension_semantics=("parallel", "parallel")),
    )(rows, idx3, W_out, b_out.reshape(c, 1))

    return out_t.reshape(b, c, h, w), nearest

# --- scband reference (transcript-rebuilt; emitter-appended) ---
"""Pipeline reference for scband-codebook-5961414607133 (READ-ONLY COPY).

The authoritative reference and input builder live on the scoring server;
editing this copy changes nothing except your own understanding.
"""

import jax, jax.numpy as jnp
import numpy as np


def setup_inputs(seed: int = 0) -> dict:
    key = jax.random.key(seed)
    ks = jax.random.split(key, 6)
    b, c, h, w = 4, 384, 32, 32
    K, L = 8192, 32
    x = jax.random.normal(ks[0], (b, c, h, w), dtype=jnp.float32)
    codebook = jax.random.normal(ks[1], (1, 1, K, L), dtype=jnp.float32)
    lim_in = 1.0 / float(np.sqrt(c))
    W_in = jax.random.uniform(ks[2], (L, c), minval=-lim_in, maxval=lim_in, dtype=jnp.float32)
    b_in = jax.random.uniform(ks[3], (L,), minval=-lim_in, maxval=lim_in, dtype=jnp.float32)
    lim_out = 1.0 / float(np.sqrt(L))
    W_out = jax.random.uniform(ks[4], (c, L), minval=-lim_out, maxval=lim_out, dtype=jnp.float32)
    b_out = jax.random.uniform(ks[5], (c,), minval=-lim_out, maxval=lim_out, dtype=jnp.float32)
    return {"x": x, "codebook": codebook, "W_in": W_in, "b_in": b_in, "W_out": W_out, "b_out": b_out}


def reference(x, codebook, W_in, b_in, W_out, b_out):
    b, c, h, w = x.shape
    # einops.rearrange(x, 'b (c n) h w -> b (h w) n c', n=1) -> [b, hw, 1, c]; we track the squeezed [b, hw, c]
    tc = jnp.transpose(x.reshape(b, c, h * w), (0, 2, 1))  # [b, hw, c]
    tc = tc @ W_in.T + b_in  # proj_in -> [b, hw, L]
    C = codebook[0, 0]  # [K, L]
    # squared L2 distance ||tc - C||^2 over last dim (equivalent to sum((x - codebook)**2, dim=3))
    d = (jnp.sum(tc ** 2, axis=-1, keepdims=True)
         - 2.0 * (tc @ C.T)
         + jnp.sum(C ** 2, axis=-1)[None, None, :])  # [b, hw, K]
    idx = jnp.argmin(d, axis=-1)  # [b, hw]  (argmin over codebook dim)
    nearest = jnp.take(C, idx, axis=0)  # codebook[:, :, idx, :].squeeze() -> [b, hw, L]
    out = nearest @ W_out.T + b_out  # proj_out -> [b, hw, c]
    out = jnp.transpose(out, (0, 2, 1)).reshape(b, c, h, w)  # 'b (h w) c -> b c h w'
    return (out, nearest)

if __name__ == "__main__":
    import jax
    _d = setup_inputs()
    print(jax.jit(kernel)(*tuple(_d.values())))

</pallas_src>

<mosaic_0001>
#map = affine_map<(d0, d1) -> (0, 0)>
#map1 = affine_map<(d0, d1) -> (0)>
module attributes {stable_mosaic.version = 14 : i64} {
  func.func @gather(%arg0: i32, %arg1: i32, %arg2: memref<2048x128xf32, #tpu.memory_space<hbm>>, %arg3: memref<4096xi32, #tpu.memory_space<hbm>>, %arg4: memref<4096x128xf32, #tpu.memory_space<hbm>>, %arg5: memref<256xi32, #tpu.memory_space<vmem>>, %arg6: memref<256xi32, #tpu.memory_space<vmem>>, %arg7: memref<256x128xf32, #tpu.memory_space<vmem>>, %arg8: memref<!tpu.dma_semaphore, #tpu.memory_space<semaphore_mem>>) attributes {dimension_semantics = [#tpu.dimension_semantics<core_parallel>, #tpu.dimension_semantics<subcore_parallel>], iteration_bounds = array<i64: 1, 16>, scalar_prefetch = 0 : i64, scratch_operands = 4 : i64, tpu.core_type = #tpu.core_type<sc_vector_subcore>, window_params = [{transform_indices = #map}, {transform_indices = #map1}, {transform_indices = #map}]} {
    %mul3A = arith.constant 256 : i32
    %mul3A_0 = arith.muli %arg1, %mul3A : i32
    "tpu.region"() ({
      %run_scoped3A = tpu.sem_alloc : memref<!tpu.dma_semaphore, #tpu.memory_space<semaphore_mem>>
      %dma_start3A_12 = tpu.memref_slice %arg3[%mul3A_0] : memref<4096xi32, #tpu.memory_space<hbm>> -> memref<256xi32, #tpu.memory_space<hbm>>
      %dma_start3A_13 = tpu.memref_slice %arg3[%mul3A_0] : memref<4096xi32, #tpu.memory_space<hbm>> -> memref<256xi32, #tpu.memory_space<hbm>>
      tpu.enqueue_dma source(%dma_start3A_13 : memref<256xi32, #tpu.memory_space<hbm>>) target(%arg5 : memref<256xi32, #tpu.memory_space<vmem>>) target_semaphore(%run_scoped3A : memref<!tpu.dma_semaphore, #tpu.memory_space<semaphore_mem>>)
      %dma_wait3A_14 = tpu.memref_slice %arg3[%mul3A_0] : memref<4096xi32, #tpu.memory_space<hbm>> -> memref<256xi32, #tpu.memory_space<hbm>>
      %dma_wait3A_15 = tpu.memref_slice %arg3[%mul3A_0] : memref<4096xi32, #tpu.memory_space<hbm>> -> memref<256xi32, #tpu.memory_space<hbm>>
      tpu.wait_dma2 semaphore(%run_scoped3A : memref<!tpu.dma_semaphore, #tpu.memory_space<semaphore_mem>>) src(%dma_wait3A_15 : memref<256xi32, #tpu.memory_space<hbm>>) dst(%arg5 : memref<256xi32, #tpu.memory_space<vmem>>)
      tpu.yield
    }) : () -> ()
    %get3A = arith.constant 0 : index
    %get3A_1 = tpu.vector_load %arg5[%get3A] {strides = array<i32>} : memref<256xi32, #tpu.memory_space<vmem>>, vector<256xi32>,
    %get3A_2 = vector.shape_cast %get3A_1 : vector<256xi32> to vector<256xi32>
    %shift_right_arithmetic3A = arith.constant 2 : i32
    %shift_right_arithmetic3A_3 = vector.broadcast %shift_right_arithmetic3A : i32 to vector<256xi32>
    %shift_right_arithmetic3A_4 = arith.shrsi %get3A_2, %shift_right_arithmetic3A_3 : vector<256xi32>
    %swap3A = arith.constant 0 : index
    %swap3A_5 = tpu.vector_load %arg6[%swap3A] {strides = array<i32>} : memref<256xi32, #tpu.memory_space<vmem>>, vector<256xi32>,
    %swap3A_6 = vector.shape_cast %swap3A_5 : vector<256xi32> to vector<256xi32>
    %swap3A_7 = vector.shape_cast %shift_right_arithmetic3A_4 : vector<256xi32> to vector<256xi32>
    tpu.vector_store %arg6[%swap3A], %swap3A_7 {strides = array<i32>} : memref<256xi32, #tpu.memory_space<vmem>>, vector<256xi32>,
    %dma_start3A = arith.constant 0 : i32
    %dma_start3A_8 = arith.constant 0 : i32
    %dma_start3A_9 = tpu.memref_slice %arg2[%dma_start3A, %dma_start3A_8] : memref<2048x128xf32, #tpu.memory_space<hbm>> -> memref<2048x128xf32, #tpu.memory_space<hbm>>
    tpu.enqueue_indirect_dma source(%dma_start3A_9 : memref<2048x128xf32, #tpu.memory_space<hbm>>) target(%arg7 : memref<256x128xf32, #tpu.memory_space<vmem>>) offsets(%arg6 : memref<256xi32, #tpu.memory_space<vmem>>) semaphore(%arg8 : memref<!tpu.dma_semaphore, #tpu.memory_space<semaphore_mem>>)
    %dma_wait3A = arith.constant 0 : i32
    %dma_wait3A_10 = arith.constant 0 : i32
    %dma_wait3A_11 = tpu.memref_slice %arg2[%dma_wait3A, %dma_wait3A_10] : memref<2048x128xf32, #tpu.memory_space<hbm>> -> memref<2048x128xf32, #tpu.memory_space<hbm>>
    tpu.wait_indirect_dma semaphore(%arg8 : memref<!tpu.dma_semaphore, #tpu.memory_space<semaphore_mem>>) src(%dma_wait3A_11 : memref<2048x128xf32, #tpu.memory_space<hbm>>) dst(%arg7 : memref<256x128xf32, #tpu.memory_space<vmem>>)
    "tpu.region"() ({
      %run_scoped3A = tpu.sem_alloc : memref<!tpu.dma_semaphore, #tpu.memory_space<semaphore_mem>>
      %dma_start3A_12 = arith.constant 0 : i32
      %dma_start3A_13 = tpu.memref_slice %arg4[%mul3A_0, %dma_start3A_12] : memref<4096x128xf32, #tpu.memory_space<hbm>> -> memref<256x128xf32, #tpu.memory_space<hbm>>
      %dma_start3A_14 = arith.constant 0 : i32
      %dma_start3A_15 = tpu.memref_slice %arg4[%mul3A_0, %dma_start3A_14] : memref<4096x128xf32, #tpu.memory_space<hbm>> -> memref<256x128xf32, #tpu.memory_space<hbm>>
      tpu.enqueue_dma source(%arg7 : memref<256x128xf32, #tpu.memory_space<vmem>>) target(%dma_start3A_15 : memref<256x128xf32, #tpu.memory_space<hbm>>) target_semaphore(%run_scoped3A : memref<!tpu.dma_semaphore, #tpu.memory_space<semaphore_mem>>)
      %dma_wait3A_16 = arith.constant 0 : i32
      %dma_wait3A_17 = tpu.memref_slice %arg4[%mul3A_0, %dma_wait3A_16] : memref<4096x128xf32, #tpu.memory_space<hbm>> -> memref<256x128xf32, #tpu.memory_space<hbm>>
      %dma_wait3A_18 = arith.constant 0 : i32
      %dma_wait3A_19 = tpu.memref_slice %arg4[%mul3A_0, %dma_wait3A_18] : memref<4096x128xf32, #tpu.memory_space<hbm>> -> memref<256x128xf32, #tpu.memory_space<hbm>>
      tpu.wait_dma2 semaphore(%run_scoped3A : memref<!tpu.dma_semaphore, #tpu.memory_space<semaphore_mem>>) src(%arg7 : memref<256x128xf32, #tpu.memory_space<vmem>>) dst(%dma_wait3A_19 : memref<256x128xf32, #tpu.memory_space<hbm>>)
      tpu.yield
    }) : () -> ()
    return
  }
}

module attributes {stable_mosaic.version = 14 : i64} {
  func.func @_argmin_body(%arg0: i32, %arg1: i32, %arg2: memref<1x384x1024xf32, #tpu.memory_space<vmem>>, %arg3: memref<8192x32xf32, #tpu.memory_space<vmem>>, %arg4: memref<32x384xf32, #tpu.memory_space<vmem>>, %arg5: memref<32x1xf32, #tpu.memory_space<vmem>>, %arg6: memref<1x1x1024xi32, #tpu.memory_space<vmem>>) attributes {dimension_semantics = [#tpu.dimension_semantics<parallel>, #tpu.dimension_semantics<parallel>], iteration_bounds = array<i64: 4, 1>, scalar_prefetch = 0 : i64, scratch_operands = 0 : i64, tpu.core_type = #tpu.core_type<tc>, window_params = [{transform_indices = @transform_0, window_bounds = array<i64: 1, 384, 1024>}, {pipeline_mode = #tpu.pipeline_mode<synchronous>, transform_indices = @transform_1, window_bounds = array<i64: 8192, 32>}, {pipeline_mode = #tpu.pipeline_mode<synchronous>, transform_indices = @transform_2, window_bounds = array<i64: 32, 384>}, {pipeline_mode = #tpu.pipeline_mode<synchronous>, transform_indices = @transform_3, window_bounds = array<i64: 32, 1>}, {transform_indices = @transform_4, window_bounds = array<i64: 1, 1, 1024>}]} {
    %get3A = arith.constant 0 : index
    %get3A_0 = arith.constant 0 : index
    %get3A_1 = arith.constant 0 : index
    %get3A_2 = vector.load %arg2[%get3A, %get3A_0, %get3A_1] : memref<1x384x1024xf32, #tpu.memory_space<vmem>>, vector<1x384x1024xf32>
    %get3A_3 = vector.shape_cast %get3A_2 : vector<1x384x1024xf32> to vector<384x1024xf32>
    %get3A_4 = arith.constant 0 : index
    %get3A_5 = arith.constant 0 : index
    %get3A_6 = vector.load %arg4[%get3A_4, %get3A_5] : memref<32x384xf32, #tpu.memory_space<vmem>>, vector<32x384xf32>
    %dot_general3A = arith.constant dense<0.000000e+00> : vector<32x1024xf32>
    %dot_general3A_7 = tpu.matmul %get3A_6, %get3A_3, %dot_general3A {dimension_numbers = #tpu.dot_dimension_numbers<[1], [0], [0], [1], [0, 0, 1, 1], [], []>, transpose_lhs_hint = false} : vector<32x384xf32>, vector<384x1024xf32>, vector<32x1024xf32> -> vector<32x1024xf32>
    %get3A_8 = arith.constant 0 : index
    %get3A_9 = arith.constant 0 : index
    %get3A_10 = vector.load %arg5[%get3A_8, %get3A_9] : memref<32x1xf32, #tpu.memory_space<vmem>>, vector<32x1xf32>
    %add3A = vector.broadcast %get3A_10 : vector<32x1xf32> to vector<32x1024xf32>
    %add3A_11 = arith.addf %dot_general3A_7, %add3A : vector<32x1024xf32>
    %get3A_12 = arith.constant 0 : index
    %get3A_13 = arith.constant 0 : index
    %get3A_14 = vector.load %arg3[%get3A_12, %get3A_13] : memref<8192x32xf32, #tpu.memory_space<vmem>>, vector<8192x32xf32>
    %get3A_15 = arith.constant 0 : index
    %get3A_16 = arith.constant 0 : index
    %get3A_17 = vector.load %arg3[%get3A_15, %get3A_16] : memref<8192x32xf32, #tpu.memory_space<vmem>>, vector<8192x32xf32>
    %mul3A = arith.mulf %get3A_14, %get3A_17 : vector<8192x32xf32>
    %reduce_sum3A = arith.constant dense<0.000000e+00> : vector<8192xf32>
    %reduce_sum3A_18 = vector.multi_reduction <add>, %mul3A, %reduce_sum3A [1] : vector<8192x32xf32> to vector<8192xf32>
    %broadcast_in_dim3A = vector.shape_cast %reduce_sum3A_18 : vector<8192xf32> to vector<8192x1xf32>
    %broadcast_in_dim3A_19 = arith.constant 0x7F800000 : f32
    %broadcast_in_dim3A_20 = vector.broadcast %broadcast_in_dim3A_19 : f32 to vector<1x1024xf32>
    %broadcast_in_dim3A_21 = arith.constant 0 : i32
    %broadcast_in_dim3A_22 = vector.broadcast %broadcast_in_dim3A_21 : i32 to vector<1x1024xi32>
    %slice3A = vector.extract_strided_slice %broadcast_in_dim3A {offsets = [0, 0], sizes = [2048, 1], strides = [1, 1]} : vector<8192x1xf32> to vector<2048x1xf32>
    %get3A_23 = arith.constant 0 : index
    %get3A_24 = arith.constant 0 : index
    %get3A_25 = vector.load %arg3[%get3A_23, %get3A_24] : memref<8192x32xf32, #tpu.memory_space<vmem>>, vector<2048x32xf32>
    %dot_general3A_26 = arith.constant dense<0.000000e+00> : vector<2048x1024xf32>
    %dot_general3A_27 = tpu.matmul %get3A_25, %add3A_11, %dot_general3A_26 {dimension_numbers = #tpu.dot_dimension_numbers<[1], [0], [0], [1], [0, 0, 1, 1], [], []>, transpose_lhs_hint = false} : vector<2048x32xf32>, vector<32x1024xf32>, vector<2048x1024xf32> -> vector<2048x1024xf32>
    %mul3A_28 = arith.constant 2.000000e+00 : f32
    %mul3A_29 = vector.broadcast %mul3A_28 : f32 to vector<2048x1024xf32>
    %mul3A_30 = arith.mulf %mul3A_29, %dot_general3A_27 : vector<2048x1024xf32>
    %sub3A = vector.broadcast %slice3A : vector<2048x1xf32> to vector<2048x1024xf32>
    %sub3A_31 = arith.subf %sub3A, %mul3A_30 : vector<2048x1024xf32>
    %reduce_min3A = arith.constant dense<0x7F800000> : vector<1024xf32>
    %reduce_min3A_32 = vector.multi_reduction <minimumf>, %sub3A_31, %reduce_min3A [0] : vector<2048x1024xf32> to vector<1024xf32>
    %broadcast_in_dim3A_33 = vector.shape_cast %reduce_min3A_32 : vector<1024xf32> to vector<1x1024xf32>
    %iota3A = tpu.iota {dimensions = array<i32: 0>} : vector<2048x1024xi32>
    %add3A_34 = arith.constant 0 : i32
    %add3A_35 = vector.broadcast %add3A_34 : i32 to vector<2048x1024xi32>
    %add3A_36 = arith.addi %iota3A, %add3A_35 : vector<2048x1024xi32>
    %eq3A = vector.broadcast %broadcast_in_dim3A_33 : vector<1x1024xf32> to vector<2048x1024xf32>
    %eq3A_37 = arith.cmpf oeq, %sub3A_31, %eq3A : vector<2048x1024xf32>
    %jit3A = arith.constant 8192 : i32
    %broadcast_in_dim3A_38 = vector.broadcast %jit3A : i32 to vector<2048x1024xi32>
    %select_n3A = arith.select %eq3A_37, %add3A_36, %broadcast_in_dim3A_38 : vector<2048x1024xi1>, vector<2048x1024xi32>
    %reduce_min3A_39 = arith.constant dense<2147483647> : vector<1024xi32>
    %reduce_min3A_40 = vector.multi_reduction <minsi>, %select_n3A, %reduce_min3A_39 [0] : vector<2048x1024xi32> to vector<1024xi32>
    %broadcast_in_dim3A_41 = vector.shape_cast %reduce_min3A_40 : vector<1024xi32> to vector<1x1024xi32>
    %lt3A = arith.cmpf olt, %broadcast_in_dim3A_33, %broadcast_in_dim3A_20 : vector<1x1024xf32>
    %select_n3A_42 = arith.select %lt3A, %broadcast_in_dim3A_41, %broadcast_in_dim3A_22 : vector<1x1024xi1>, vector<1x1024xi32>
    %min3A = arith.minimumf %broadcast_in_dim3A_20, %broadcast_in_dim3A_33 : vector<1x1024xf32>
    %slice3A_43 = vector.extract_strided_slice %broadcast_in_dim3A {offsets = [2048, 0], sizes = [2048, 1], strides = [1, 1]} : vector<8192x1xf32> to vector<2048x1xf32>
    %get3A_44 = arith.constant 2048 : index
    %get3A_45 = arith.constant 0 : index
    %get3A_46 = vector.load %arg3[%get3A_44, %get3A_45] : memref<8192x32xf32, #tpu.memory_space<vmem>>, vector<2048x32xf32>
    %dot_general3A_47 = arith.constant dense<0.000000e+00> : vector<2048x1024xf32>
    %dot_general3A_48 = tpu.matmul %get3A_46, %add3A_11, %dot_general3A_47 {dimension_numbers = #tpu.dot_dimension_numbers<[1], [0], [0], [1], [0, 0, 1, 1], [], []>, transpose_lhs_hint = false} : vector<2048x32xf32>, vector<32x1024xf32>, vector<2048x1024xf32> -> vector<2048x1024xf32>
    %mul3A_49 = arith.constant 2.000000e+00 : f32
    %mul3A_50 = vector.broadcast %mul3A_49 : f32 to vector<2048x1024xf32>
    %mul3A_51 = arith.mulf %mul3A_50, %dot_general3A_48 : vector<2048x1024xf32>
    %sub3A_52 = vector.broadcast %slice3A_43 : vector<2048x1xf32> to vector<2048x1024xf32>
    %sub3A_53 = arith.subf %sub3A_52, %mul3A_51 : vector<2048x1024xf32>
    %reduce_min3A_54 = arith.constant dense<0x7F800000> : vector<1024xf32>
    %reduce_min3A_55 = vector.multi_reduction <minimumf>, %sub3A_53, %reduce_min3A_54 [0] : vector<2048x1024xf32> to vector<1024xf32>
    %broadcast_in_dim3A_56 = vector.shape_cast %reduce_min3A_55 : vector<1024xf32> to vector<1x1024xf32>
    %iota3A_57 = tpu.iota {dimensions = array<i32: 0>} : vector<2048x1024xi32>
    %add3A_58 = arith.constant 2048 : i32
    %add3A_59 = vector.broadcast %add3A_58 : i32 to vector<2048x1024xi32>
    %add3A_60 = arith.addi %iota3A_57, %add3A_59 : vector<2048x1024xi32>
    %eq3A_61 = vector.broadcast %broadcast_in_dim3A_56 : vector<1x1024xf32> to vector<2048x1024xf32>
    %eq3A_62 = arith.cmpf oeq, %sub3A_53, %eq3A_61 : vector<2048x1024xf32>
    %jit3A_63 = arith.constant 8192 : i32
    %broadcast_in_dim3A_64 = vector.broadcast %jit3A_63 : i32 to vector<2048x1024xi32>
    %select_n3A_65 = arith.select %eq3A_62, %add3A_60, %broadcast_in_dim3A_64 : vector<2048x1024xi1>, vector<2048x1024xi32>
    %reduce_min3A_66 = arith.constant dense<2147483647> : vector<1024xi32>
    %reduce_min3A_67 = vector.multi_reduction <minsi>, %select_n3A_65, %reduce_min3A_66 [0] : vector<2048x1024xi32> to vector<1024xi32>
    %broadcast_in_dim3A_68 = vector.shape_cast %reduce_min3A_67 : vector<1024xi32> to vector<1x1024xi32>
    %lt3A_69 = arith.cmpf olt, %broadcast_in_dim3A_56, %min3A : vector<1x1024xf32>
    %select_n3A_70 = arith.select %lt3A_69, %broadcast_in_dim3A_68, %select_n3A_42 : vector<1x1024xi1>, vector<1x1024xi32>
    %min3A_71 = arith.minimumf %min3A, %broadcast_in_dim3A_56 : vector<1x1024xf32>
    %slice3A_72 = vector.extract_strided_slice %broadcast_in_dim3A {offsets = [4096, 0], sizes = [2048, 1], strides = [1, 1]} : vector<8192x1xf32> to vector<2048x1xf32>
    %get3A_73 = arith.constant 4096 : index
    %get3A_74 = arith.constant 0 : index
    %get3A_75 = vector.load %arg3[%get3A_73, %get3A_74] : memref<8192x32xf32, #tpu.memory_space<vmem>>, vector<2048x32xf32>
    %dot_general3A_76 = arith.constant dense<0.000000e+00> : vector<2048x1024xf32>
    %dot_general3A_77 = tpu.matmul %get3A_75, %add3A_11, %dot_general3A_76 {dimension_numbers = #tpu.dot_dimension_numbers<[1], [0], [0], [1], [0, 0, 1, 1], [], []>, transpose_lhs_hint = false} : vector<2048x32xf32>, vector<32x1024xf32>, vector<2048x1024xf32> -> vector<2048x1024xf32>
    %mul3A_78 = arith.constant 2.000000e+00 : f32
    %mul3A_79 = vector.broadcast %mul3A_78 : f32 to vector<2048x1024xf32>
    %mul3A_80 = arith.mulf %mul3A_79, %dot_general3A_77 : vector<2048x1024xf32>
    %sub3A_81 = vector.broadcast %slice3A_72 : vector<2048x1xf32> to vector<2048x1024xf32>
    %sub3A_82 = arith.subf %sub3A_81, %mul3A_80 : vector<2048x1024xf32>
    %reduce_min3A_83 = arith.constant dense<0x7F800000> : vector<1024xf32>
    %reduce_min3A_84 = vector.multi_reduction <minimumf>, %sub3A_82, %reduce_min3A_83 [0] : vector<2048x1024xf32> to vector<1024xf32>
    %broadcast_in_dim3A_85 = vector.shape_cast %reduce_min3A_84 : vector<1024xf32> to vector<1x1024xf32>
    %iota3A_86 = tpu.iota {dimensions = array<i32: 0>} : vector<2048x1024xi32>
    %add3A_87 = arith.constant 4096 : i32
    %add3A_88 = vector.broadcast %add3A_87 : i32 to vector<2048x1024xi32>
    %add3A_89 = arith.addi %iota3A_86, %add3A_88 : vector<2048x1024xi32>
    %eq3A_90 = vector.broadcast %broadcast_in_dim3A_85 : vector<1x1024xf32> to vector<2048x1024xf32>
    %eq3A_91 = arith.cmpf oeq, %sub3A_82, %eq3A_90 : vector<2048x1024xf32>
    %jit3A_92 = arith.constant 8192 : i32
    %broadcast_in_dim3A_93 = vector.broadcast %jit3A_92 : i32 to vector<2048x1024xi32>
    %select_n3A_94 = arith.select %eq3A_91, %add3A_89, %broadcast_in_dim3A_93 : vector<2048x1024xi1>, vector<2048x1024xi32>
    %reduce_min3A_95 = arith.constant dense<2147483647> : vector<1024xi32>
    %reduce_min3A_96 = vector.multi_reduction <minsi>, %select_n3A_94, %reduce_min3A_95 [0] : vector<2048x1024xi32> to vector<1024xi32>
    %broadcast_in_dim3A_97 = vector.shape_cast %reduce_min3A_96 : vector<1024xi32> to vector<1x1024xi32>
    %lt3A_98 = arith.cmpf olt, %broadcast_in_dim3A_85, %min3A_71 : vector<1x1024xf32>
    %select_n3A_99 = arith.select %lt3A_98, %broadcast_in_dim3A_97, %select_n3A_70 : vector<1x1024xi1>, vector<1x1024xi32>
    %min3A_100 = arith.minimumf %min3A_71, %broadcast_in_dim3A_85 : vector<1x1024xf32>
    %slice3A_101 = vector.extract_strided_slice %broadcast_in_dim3A {offsets = [6144, 0], sizes = [2048, 1], strides = [1, 1]} : vector<8192x1xf32> to vector<2048x1xf32>
    %get3A_102 = arith.constant 6144 : index
    %get3A_103 = arith.constant 0 : index
    %get3A_104 = vector.load %arg3[%get3A_102, %get3A_103] : memref<8192x32xf32, #tpu.memory_space<vmem>>, vector<2048x32xf32>
    %dot_general3A_105 = arith.constant dense<0.000000e+00> : vector<2048x1024xf32>
    %dot_general3A_106 = tpu.matmul %get3A_104, %add3A_11, %dot_general3A_105 {dimension_numbers = #tpu.dot_dimension_numbers<[1], [0], [0], [1], [0, 0, 1, 1], [], []>, transpose_lhs_hint = false} : vector<2048x32xf32>, vector<32x1024xf32>, vector<2048x1024xf32> -> vector<2048x1024xf32>
    %mul3A_107 = arith.constant 2.000000e+00 : f32
    %mul3A_108 = vector.broadcast %mul3A_107 : f32 to vector<2048x1024xf32>
    %mul3A_109 = arith.mulf %mul3A_108, %dot_general3A_106 : vector<2048x1024xf32>
    %sub3A_110 = vector.broadcast %slice3A_101 : vector<2048x1xf32> to vector<2048x1024xf32>
    %sub3A_111 = arith.subf %sub3A_110, %mul3A_109 : vector<2048x1024xf32>
    %reduce_min3A_112 = arith.constant dense<0x7F800000> : vector<1024xf32>
    %reduce_min3A_113 = vector.multi_reduction <minimumf>, %sub3A_111, %reduce_min3A_112 [0] : vector<2048x1024xf32> to vector<1024xf32>
    %broadcast_in_dim3A_114 = vector.shape_cast %reduce_min3A_113 : vector<1024xf32> to vector<1x1024xf32>
    %iota3A_115 = tpu.iota {dimensions = array<i32: 0>} : vector<2048x1024xi32>
    %add3A_116 = arith.constant 6144 : i32
    %add3A_117 = vector.broadcast %add3A_116 : i32 to vector<2048x1024xi32>
    %add3A_118 = arith.addi %iota3A_115, %add3A_117 : vector<2048x1024xi32>
    %eq3A_119 = vector.broadcast %broadcast_in_dim3A_114 : vector<1x1024xf32> to vector<2048x1024xf32>
    %eq3A_120 = arith.cmpf oeq, %sub3A_111, %eq3A_119 : vector<2048x1024xf32>
    %jit3A_121 = arith.constant 8192 : i32
    %broadcast_in_dim3A_122 = vector.broadcast %jit3A_121 : i32 to vector<2048x1024xi32>
    %select_n3A_123 = arith.select %eq3A_120, %add3A_118, %broadcast_in_dim3A_122 : vector<2048x1024xi1>, vector<2048x1024xi32>
    %reduce_min3A_124 = arith.constant dense<2147483647> : vector<1024xi32>
    %reduce_min3A_125 = vector.multi_reduction <minsi>, %select_n3A_123, %reduce_min3A_124 [0] : vector<2048x1024xi32> to vector<1024xi32>
    %broadcast_in_dim3A_126 = vector.shape_cast %reduce_min3A_125 : vector<1024xi32> to vector<1x1024xi32>
    %lt3A_127 = arith.cmpf olt, %broadcast_in_dim3A_114, %min3A_100 : vector<1x1024xf32>
    %select_n3A_128 = arith.select %lt3A_127, %broadcast_in_dim3A_126, %select_n3A_99 : vector<1x1024xi1>, vector<1x1024xi32>
    %squeeze3A = vector.shape_cast %select_n3A_128 : vector<1x1024xi32> to vector<1024xi32>
    %swap3A = arith.constant 0 : index
    %swap3A_129 = arith.constant 0 : index
    %swap3A_130 = arith.constant 0 : index
    %swap3A_131 = vector.load %arg6[%swap3A, %swap3A_129, %swap3A_130] : memref<1x1x1024xi32, #tpu.memory_space<vmem>>, vector<1x1x1024xi32>
    %swap3A_132 = vector.shape_cast %swap3A_131 : vector<1x1x1024xi32> to vector<1024xi32>
    %swap3A_133 = vector.shape_cast %squeeze3A : vector<1024xi32> to vector<1x1x1024xi32>
    tpu.vector_store %arg6[%swap3A, %swap3A_129, %swap3A_130], %swap3A_133 {strides = array<i32>} : memref<1x1x1024xi32, #tpu.memory_space<vmem>>, vector<1x1x1024xi32>,
    return
  }
  func.func @transform_0(%arg0: i32, %arg1: i32) -> (i32, i32, i32) {
    %c0_i32 = arith.constant 0 : i32
    %c0_i32_0 = arith.constant 0 : i32
    return %arg0, %c0_i32, %arg1 : i32, i32, i32
  }
  func.func @transform_1(%arg0: i32, %arg1: i32) -> (i32, i32) {
    %c0_i32 = arith.constant 0 : i32
    %c0_i32_0 = arith.constant 0 : i32
    %c0_i32_1 = arith.constant 0 : i32
    return %c0_i32, %c0_i32_0 : i32, i32
  }
  func.func @transform_2(%arg0: i32, %arg1: i32) -> (i32, i32) {
    %c0_i32 = arith.constant 0 : i32
    %c0_i32_0 = arith.constant 0 : i32
    %c0_i32_1 = arith.constant 0 : i32
    return %c0_i32, %c0_i32_0 : i32, i32
  }
  func.func @transform_3(%arg0: i32, %arg1: i32) -> (i32, i32) {
    %c0_i32 = arith.constant 0 : i32
    %c0_i32_0 = arith.constant 0 : i32
    %c0_i32_1 = arith.constant 0 : i32
    return %c0_i32, %c0_i32_0 : i32, i32
  }
  func.func @transform_4(%arg0: i32, %arg1: i32) -> (i32, i32, i32) {
    %mul3A = arith.constant 1 : i32
    %mul3A_0 = arith.muli %arg0, %mul3A : i32
    %add3A = arith.addi %mul3A_0, %arg1 : i32
    %c0_i32 = arith.constant 0 : i32
    %c0_i32_1 = arith.constant 0 : i32
    %c0_i32_2 = arith.constant 0 : i32
    return %add3A, %c0_i32, %c0_i32_1 : i32, i32, i32
  }
}

module attributes {stable_mosaic.version = 14 : i64} {
  func.func @_proj_out_body(%arg0: i32, %arg1: i32, %arg2: memref<1x1024x128xf32, #tpu.memory_space<vmem>>, %arg3: memref<1x1x1024xi32, #tpu.memory_space<vmem>>, %arg4: memref<384x32xf32, #tpu.memory_space<vmem>>, %arg5: memref<384x1xf32, #tpu.memory_space<vmem>>, %arg6: memref<1x384x1024xf32, #tpu.memory_space<vmem>>, %arg7: memref<1x1024x32xf32, #tpu.memory_space<vmem>>) attributes {dimension_semantics = [#tpu.dimension_semantics<parallel>, #tpu.dimension_semantics<parallel>], iteration_bounds = array<i64: 4, 1>, scalar_prefetch = 0 : i64, scratch_operands = 0 : i64, tpu.core_type = #tpu.core_type<tc>, window_params = [{transform_indices = @transform_0, window_bounds = array<i64: 1, 1024, 128>}, {transform_indices = @transform_1, window_bounds = array<i64: 1, 1, 1024>}, {pipeline_mode = #tpu.pipeline_mode<synchronous>, transform_indices = @transform_2, window_bounds = array<i64: 384, 32>}, {pipeline_mode = #tpu.pipeline_mode<synchronous>, transform_indices = @transform_3, window_bounds = array<i64: 384, 1>}, {transform_indices = @transform_4, window_bounds = array<i64: 1, 384, 1024>}, {transform_indices = @transform_5, window_bounds = array<i64: 1, 1024, 32>}]} {
    %get3A = arith.constant 0 : index
    %get3A_0 = arith.constant 0 : index
    %get3A_1 = arith.constant 0 : index
    %get3A_2 = vector.load %arg2[%get3A, %get3A_0, %get3A_1] : memref<1x1024x128xf32, #tpu.memory_space<vmem>>, vector<1x1024x128xf32>
    %get3A_3 = vector.shape_cast %get3A_2 : vector<1x1024x128xf32> to vector<1024x128xf32>
    %get3A_4 = arith.constant 0 : index
    %get3A_5 = arith.constant 0 : index
    %get3A_6 = arith.constant 0 : index
    %get3A_7 = vector.load %arg3[%get3A_4, %get3A_5, %get3A_6] : memref<1x1x1024xi32, #tpu.memory_space<vmem>>, vector<1x1x1024xi32>
    %get3A_8 = vector.shape_cast %get3A_7 : vector<1x1x1024xi32> to vector<1024xi32>
    %broadcast_in_dim3A = vector.shape_cast %get3A_8 : vector<1024xi32> to vector<1024x1xi32>
    %and3A = arith.constant 3 : i32
    %and3A_9 = vector.broadcast %and3A : i32 to vector<1024x1xi32>
    %and3A_10 = arith.andi %broadcast_in_dim3A, %and3A_9 : vector<1024x1xi32>
    %broadcast_in_dim3A_11 = arith.constant 0.000000e+00 : f32
    %broadcast_in_dim3A_12 = vector.broadcast %broadcast_in_dim3A_11 : f32 to vector<1024x32xf32>
    %eq3A = arith.constant 0 : i32
    %eq3A_13 = vector.broadcast %eq3A : i32 to vector<1024x1xi32>
    %eq3A_14 = arith.cmpi eq, %and3A_10, %eq3A_13 : vector<1024x1xi32>
    %slice3A = vector.extract_strided_slice %get3A_3 {offsets = [0, 0], sizes = [1024, 32], strides = [1, 1]} : vector<1024x128xf32> to vector<1024x32xf32>
    %jit3A = arith.constant 0.000000e+00 : f32
    %broadcast_in_dim3A_15 = vector.shape_cast %eq3A_14 : vector<1024x1xi1> to vector<1024x1xi1>
    %broadcast_in_dim3A_16 = vector.broadcast %broadcast_in_dim3A_15 : vector<1024x1xi1> to vector<1024x32xi1>
    %broadcast_in_dim3A_17 = vector.broadcast %jit3A : f32 to vector<1024x32xf32>
    %select_n3A = arith.select %broadcast_in_dim3A_16, %slice3A, %broadcast_in_dim3A_17 : vector<1024x32xi1>, vector<1024x32xf32>
    %add3A = arith.addf %broadcast_in_dim3A_12, %select_n3A : vector<1024x32xf32>
    %eq3A_18 = arith.constant 1 : i32
    %eq3A_19 = vector.broadcast %eq3A_18 : i32 to vector<1024x1xi32>
    %eq3A_20 = arith.cmpi eq, %and3A_10, %eq3A_19 : vector<1024x1xi32>
    %slice3A_21 = vector.extract_strided_slice %get3A_3 {offsets = [0, 32], sizes = [1024, 32], strides = [1, 1]} : vector<1024x128xf32> to vector<1024x32xf32>
    %jit3A_22 = arith.constant 0.000000e+00 : f32
    %broadcast_in_dim3A_23 = vector.shape_cast %eq3A_20 : vector<1024x1xi1> to vector<1024x1xi1>
    %broadcast_in_dim3A_24 = vector.broadcast %broadcast_in_dim3A_23 : vector<1024x1xi1> to vector<1024x32xi1>
    %broadcast_in_dim3A_25 = vector.broadcast %jit3A_22 : f32 to vector<1024x32xf32>
    %select_n3A_26 = arith.select %broadcast_in_dim3A_24, %slice3A_21, %broadcast_in_dim3A_25 : vector<1024x32xi1>, vector<1024x32xf32>
    %add3A_27 = arith.addf %add3A, %select_n3A_26 : vector<1024x32xf32>
    %eq3A_28 = arith.constant 2 : i32
    %eq3A_29 = vector.broadcast %eq3A_28 : i32 to vector<1024x1xi32>
    %eq3A_30 = arith.cmpi eq, %and3A_10, %eq3A_29 : vector<1024x1xi32>
    %slice3A_31 = vector.extract_strided_slice %get3A_3 {offsets = [0, 64], sizes = [1024, 32], strides = [1, 1]} : vector<1024x128xf32> to vector<1024x32xf32>
    %jit3A_32 = arith.constant 0.000000e+00 : f32
    %broadcast_in_dim3A_33 = vector.shape_cast %eq3A_30 : vector<1024x1xi1> to vector<1024x1xi1>
    %broadcast_in_dim3A_34 = vector.broadcast %broadcast_in_dim3A_33 : vector<1024x1xi1> to vector<1024x32xi1>
    %broadcast_in_dim3A_35 = vector.broadcast %jit3A_32 : f32 to vector<1024x32xf32>
    %select_n3A_36 = arith.select %broadcast_in_dim3A_34, %slice3A_31, %broadcast_in_dim3A_35 : vector<1024x32xi1>, vector<1024x32xf32>
    %add3A_37 = arith.addf %add3A_27, %select_n3A_36 : vector<1024x32xf32>
    %eq3A_38 = arith.constant 3 : i32
    %eq3A_39 = vector.broadcast %eq3A_38 : i32 to vector<1024x1xi32>
    %eq3A_40 = arith.cmpi eq, %and3A_10, %eq3A_39 : vector<1024x1xi32>
    %slice3A_41 = vector.extract_strided_slice %get3A_3 {offsets = [0, 96], sizes = [1024, 32], strides = [1, 1]} : vector<1024x128xf32> to vector<1024x32xf32>
    %jit3A_42 = arith.constant 0.000000e+00 : f32
    %broadcast_in_dim3A_43 = vector.shape_cast %eq3A_40 : vector<1024x1xi1> to vector<1024x1xi1>
    %broadcast_in_dim3A_44 = vector.broadcast %broadcast_in_dim3A_43 : vector<1024x1xi1> to vector<1024x32xi1>
    %broadcast_in_dim3A_45 = vector.broadcast %jit3A_42 : f32 to vector<1024x32xf32>
    %select_n3A_46 = arith.select %broadcast_in_dim3A_44, %slice3A_41, %broadcast_in_dim3A_45 : vector<1024x32xi1>, vector<1024x32xf32>
    %add3A_47 = arith.addf %add3A_37, %select_n3A_46 : vector<1024x32xf32>
    %swap3A = arith.constant 0 : index
    %swap3A_48 = arith.constant 0 : index
    %swap3A_49 = arith.constant 0 : index
    %swap3A_50 = vector.load %arg7[%swap3A, %swap3A_48, %swap3A_49] : memref<1x1024x32xf32, #tpu.memory_space<vmem>>, vector<1x1024x32xf32>
    %swap3A_51 = vector.shape_cast %swap3A_50 : vector<1x1024x32xf32> to vector<1024x32xf32>
    %swap3A_52 = vector.shape_cast %add3A_47 : vector<1024x32xf32> to vector<1x1024x32xf32>
    tpu.vector_store %arg7[%swap3A, %swap3A_48, %swap3A_49], %swap3A_52 {strides = array<i32>} : memref<1x1024x32xf32, #tpu.memory_space<vmem>>, vector<1x1024x32xf32>,
    %get3A_53 = arith.constant 0 : index
    %get3A_54 = arith.constant 0 : index
    %get3A_55 = vector.load %arg4[%get3A_53, %get3A_54] : memref<384x32xf32, #tpu.memory_space<vmem>>, vector<384x32xf32>
    %dot_general3A = arith.constant dense<0.000000e+00> : vector<384x1024xf32>
    %dot_general3A_56 = tpu.matmul %get3A_55, %add3A_47, %dot_general3A {dimension_numbers = #tpu.dot_dimension_numbers<[1], [1], [0], [0], [0, 0, 1, 0], [], []>, transpose_lhs_hint = false} : vector<384x32xf32>, vector<1024x32xf32>, vector<384x1024xf32> -> vector<384x1024xf32>
    %get3A_57 = arith.constant 0 : index
    %get3A_58 = arith.constant 0 : index
    %get3A_59 = vector.load %arg5[%get3A_57, %get3A_58] : memref<384x1xf32, #tpu.memory_space<vmem>>, vector<384x1xf32>
    %add3A_60 = vector.broadcast %get3A_59 : vector<384x1xf32> to vector<384x1024xf32>
    %add3A_61 = arith.addf %dot_general3A_56, %add3A_60 : vector<384x1024xf32>
    %swap3A_62 = arith.constant 0 : index
    %swap3A_63 = arith.constant 0 : index
    %swap3A_64 = arith.constant 0 : index
    %swap3A_65 = vector.load %arg6[%swap3A_62, %swap3A_63, %swap3A_64] : memref<1x384x1024xf32, #tpu.memory_space<vmem>>, vector<1x384x1024xf32>
    %swap3A_66 = vector.shape_cast %swap3A_65 : vector<1x384x1024xf32> to vector<384x1024xf32>
    %swap3A_67 = vector.shape_cast %add3A_61 : vector<384x1024xf32> to vector<1x384x1024xf32>
    tpu.vector_store %arg6[%swap3A_62, %swap3A_63, %swap3A_64], %swap3A_67 {strides = array<i32>} : memref<1x384x1024xf32, #tpu.memory_space<vmem>>, vector<1x384x1024xf32>,
    return
  }
  func.func @transform_0(%arg0: i32, %arg1: i32) -> (i32, i32, i32) {
    %c0_i32 = arith.constant 0 : i32
    %c0_i32_0 = arith.constant 0 : i32
    return %arg0, %arg1, %c0_i32 : i32, i32, i32
  }
  func.func @transform_1(%arg0: i32, %arg1: i32) -> (i32, i32, i32) {
    %mul3A = arith.constant 1 : i32
    %mul3A_0 = arith.muli %arg0, %mul3A : i32
    %add3A = arith.addi %mul3A_0, %arg1 : i32
    %c0_i32 = arith.constant 0 : i32
    %c0_i32_1 = arith.constant 0 : i32
    %c0_i32_2 = arith.constant 0 : i32
    return %add3A, %c0_i32, %c0_i32_1 : i32, i32, i32
  }
  func.func @transform_2(%arg0: i32, %arg1: i32) -> (i32, i32) {
    %c0_i32 = arith.constant 0 : i32
    %c0_i32_0 = arith.constant 0 : i32
    %c0_i32_1 = arith.constant 0 : i32
    return %c0_i32, %c0_i32_0 : i32, i32
  }
  func.func @transform_3(%arg0: i32, %arg1: i32) -> (i32, i32) {
    %c0_i32 = arith.constant 0 : i32
    %c0_i32_0 = arith.constant 0 : i32
    %c0_i32_1 = arith.constant 0 : i32
    return %c0_i32, %c0_i32_0 : i32, i32
  }
  func.func @transform_4(%arg0: i32, %arg1: i32) -> (i32, i32, i32) {
    %c0_i32 = arith.constant 0 : i32
    %c0_i32_0 = arith.constant 0 : i32
    return %arg0, %c0_i32, %arg1 : i32, i32, i32
  }
  func.func @transform_5(%arg0: i32, %arg1: i32) -> (i32, i32, i32) {
    %c0_i32 = arith.constant 0 : i32
    %c0_i32_0 = arith.constant 0 : i32
    return %arg0, %arg1, %c0_i32 : i32, i32, i32
  }
}

</mosaic_0001>

<sc_bundles>
// kernel: kernel.5.cloned.1.call-start
scs
__scs_entry_jumppad:
0x0: {  	(pc) =	sbr.rel $0x88, $3  }
0x1: {  	(tag) =	ssettag $0x0;
	lr =	simm.s32 $0x1  }
0x2: {  	[smem:$0x3F9B] =	sst lr;
	_ =	strace $0xD0000000  }
0x3: {  	_ = 	snop  }
0x4: {  	_ = 	snop  }
0x5: {  	_ = 	snop  }
0x6: {  	_ = 	snop  }
0x7: {  	_ = 	snop  }
__scs_overlays_trampoline_lowered:
0x8: {  	[smem:$0x3FAA] =	sst s0  }
0x9: {  	[smem:$0x3FAB] =	sst s1  }
0xa: {  	[smem:$0x3FAC] =	sst s2  }
0xb: {  	[smem:$0x3FAD] =	sst s3  }
0xc: {  	[smem:$0x3FAE] =	sst s4  }
0xd: {  	[smem:$0x3FAF] =	sst s5  }
0xe: {  	[smem:$0x3FB0] =	sst s6  }
0xf: {  	[smem:$0x3FB1] =	sst s7  }
0x10: {  	[smem:$0x3FB2] =	sst s8  }
0x11: {  	[smem:$0x3FB3] =	sst s9;
	s0 =	simm.s32 @!p0 $0x0  }
0x12: {  	s1 =	sld [smem:$0x3F99];
	s0 =	simm.s32 @p0 $0x1  }
0x13: {  	[smem:$0x3FB4] =	sst s0;
	s0 =	simm.s32 @!p1 $0x0  }
0x14: {  	s2 =	sld [smem:$0x3F98];
	s0 =	simm.s32 @p1 $0x1  }
0x15: {  	[smem:$0x3FB5] =	sst s0;
	s0 =	simm.s32 @!p2 $0x0  }
0x16: {  	s3 =	sld [smem:$0x3FDB];
	s0 =	simm.s32 @p2 $0x1  }
0x17: {  	s4 =	simm.s32 $0x1BF5;
	[smem:$0x3FB7] =	sst s0  }
0x18: {  	s0 =	sld [smem:$0x3F9A];
	_ =	swait.ge [sflag:s4], $0x0  }
0x19: {  	s7 =	sld [smem:$0x3F9B]  }
0x1a: {  	s8 =	sadd.s32 $0xFFFFE003, lr  }
0x1b: {  	s9 =	sadd.s32 $0xFFFFFEF7, lr;
	s5 =	simm.s32 $0xFFFFFFFF;
	p2 =	slt.u32 s8, $0xFFFFF086  }
0x1c: {  	p1 =	slt.u32 s9, $0xF7A;
	s5 =	simm.s32 @!p2 $0x0  }
0x1d: {  	s5 =	simm.s32 @p1 $0x1;
	p0 =	seq.s32 s7, s2  }
0x1e: {  	s7 =	smul.u32 @!p0 $0xF7A, s2;
	p2 =	seq.s32 @!p0 s5, $0x0  }
0x1f: {  	s9 =	smul.u32 $0xF7A, s1;
	s8 =	simm.s32 @!p0 $0x1BF5;
	p2 =	por !p2, p0  }
0x20: {  	[sflag:s8] =	ssyncset.s32 @!p0 $0xFFFFF086;
	s6 =	sadd.s32 @!p0 s3, s7;
	s7 =	simm.s32 @!p0 $0x108  }
0x21: {  	s3 =	sadd.s32 s3, s9;
	s6 =	sadd.s32 @!p0 $0x88, s6;
	s7 =	simm.s32 @p2 $0x1082  }
0x22: {  	[simem:s7], [sflag:s8] =	dma.local @!p0 [hbm:s6], $0xF7A  }
0x23: {  	s9 =	sor.u32 $0xD0000000, s2;
	s6 =	simm.s32 $0x108;
	_ =	swait.ge @!p0 [sflag:s8], $0x0  }
0x24: {  	s3 =	sadd.s32 $0x88, s3;
	s6 =	simm.s32 @!p1 $0x1082;
	[sflag:s4] =	ssyncset.s32 $0xFFFFF086  }
0x25: {  	[simem:s6], [sflag:s4] =	dma.local [hbm:s3], $0xF7A  }
0x26: {  	[smem:$0x3F9B] =	sst s1;
	(tag) =	ssettag s2;
	_ =	strace s9  }
0x27: {  	s1 =	sld [smem:$0x3FAB]  }
0x28: {  	s2 =	sld [smem:$0x3FAC]  }
0x29: {  	s4 =	sld [smem:$0x3FAE]  }
0x2a: {  	p0 =	seq.s32 s5, $0x0;
	s5 =	sld [smem:$0x3FAF]  }
0x2b: {  	s6 =	sld [smem:$0x3FB0]  }
0x2c: {  	s7 =	sld [smem:$0x3FB1]  }
0x2d: {  	s3 =	simm.s32 $0x108;
	s8 =	sld [smem:$0x3FB2]  }
0x2e: {  	s3 =	simm.s32 @!p0 $0x1082;
	s9 =	sld [smem:$0x3FB3]  }
0x2f: {  	lr =	sadd.s32 s0, s3;
	s0 =	sld [smem:$0x3FAA]  }
0x30: {  	s3 =	sld [smem:$0x3FAD]  }
0x31: {  	[smem:$0x3FB6] =	sst s10  }
0x32: {  	s10 =	sld [smem:$0x3FB4];
	_ =	sdelay $0x3  }
0x33: {  	p0 =	seq.s32 s10, $0x1;
	s10 =	sld [smem:$0x3FB6];
	_ =	sdelay $0x3  }
0x34: {  	[smem:$0x3FB6] =	sst s10  }
0x35: {  	s10 =	sld [smem:$0x3FB5];
	_ =	sdelay $0x3  }
0x36: {  	p1 =	seq.s32 s10, $0x1;
	s10 =	sld [smem:$0x3FB6];
	_ =	sdelay $0x3  }
0x37: {  	[smem:$0x3FB6] =	sst s10  }
0x38: {  	s10 =	sld [smem:$0x3FB7]  }
0x39: {  	_ = 	snop;
	(pc) =	sbr.ind lr, $3  }
0x3a: {  	_ = 	snop  }
0x3b: {  	_ = 	snop  }
0x3c: {  	p2 =	seq.s32 s10, $0x1;
	s10 =	sld [smem:$0x3FB6]  }
0x3d: {  	_ =	shalt  }
0x3e: {  	_ =	shalt  }
0x3f: {  	_ =	shalt  }
0x40: {  	_ =	shalt  }
0x41: {  	_ =	shalt  }
0x42: {  	_ =	shalt  }
0x43: {  	_ =	shalt  }
0x44: {  	_ =	shalt  }
0x45: {  	_ =	shalt  }
0x46: {  	_ =	shalt  }
0x47: {  	_ =	shalt  }
0x48: {  	_ =	shalt  }
0x49: {  	_ =	shalt  }
0x4a: {  	_ =	shalt  }
0x4b: {  	_ =	shalt  }
0x4c: {  	_ =	shalt  }
0x4d: {  	_ =	shalt  }
0x4e: {  	_ =	shalt  }
0x4f: {  	_ =	shalt  }
0x50: {  	_ =	shalt  }
0x51: {  	_ =	shalt  }
0x52: {  	_ =	shalt  }
0x53: {  	_ =	shalt  }
0x54: {  	_ =	shalt  }
0x55: {  	_ =	shalt  }
0x56: {  	_ =	shalt  }
0x57: {  	_ =	shalt  }
0x58: {  	_ =	shalt  }
0x59: {  	_ =	shalt  }
0x5a: {  	_ =	shalt  }
0x5b: {  	_ =	shalt  }
0x5c: {  	_ =	shalt  }
0x5d: {  	_ =	shalt  }
0x5e: {  	_ =	shalt  }
0x5f: {  	_ =	shalt  }
0x60: {  	_ =	shalt  }
0x61: {  	_ =	shalt  }
0x62: {  	_ =	shalt  }
0x63: {  	_ =	shalt  }
0x64: {  	_ =	shalt  }
0x65: {  	_ =	shalt  }
0x66: {  	_ =	shalt  }
0x67: {  	_ =	shalt  }
0x68: {  	_ =	shalt  }
0x69: {  	_ =	shalt  }
0x6a: {  	_ =	shalt  }
0x6b: {  	_ =	shalt  }
0x6c: {  	_ =	shalt  }
0x6d: {  	_ =	shalt  }
0x6e: {  	_ =	shalt  }
0x6f: {  	_ =	shalt  }
0x70: {  	_ =	shalt  }
0x71: {  	_ =	shalt  }
0x72: {  	_ =	shalt  }
0x73: {  	_ =	shalt  }
0x74: {  	_ =	shalt  }
0x75: {  	_ =	shalt  }
0x76: {  	_ =	shalt  }
0x77: {  	_ =	shalt  }
0x78: {  	_ =	shalt  }
0x79: {  	_ =	shalt  }
0x7a: {  	_ =	shalt  }
0x7b: {  	_ =	shalt  }
0x7c: {  	_ =	shalt  }
0x7d: {  	_ =	shalt  }
0x7e: {  	_ =	shalt  }
0x7f: {  	_ =	shalt  }
0x80: {  	_ =	shalt  }
0x81: {  	_ =	shalt  }
0x82: {  	_ =	shalt  }
0x83: {  	_ =	shalt  }
0x84: {  	_ =	shalt  }
0x85: {  	_ =	shalt  }
0x86: {  	_ =	shalt  }
0x87: {  	_ =	shalt  }
.Lfunc_end0:
.L_simem_size_0:
called_computation_lowered:
.L_overlay_start_0:
0x88: {  	s0 =	sld [smem:$0x3FD9]  }
0x89: {  	s1 =	sld [smem:$0x3FFE];
	_ =	sdelay $0x3  }
0x8a: {  	s0 =	sadd.s32 s1, s0  }
0x8b: {  	[smem:$0x3FC2] =	sst s0  }
0x8c: {  	_ = 	snop  }
0x8d: {  	s0 =	sld [smem:$0x3FD0];
	_ =	sdelay $0x2  }
0x8e: {  	s13 =	simm.s32 $0xA;
	s2 =	simm.s32 $0x10  }
0x8f: {  	[smem:s2], [sflag:s13] =	dma.local [hbm:s0], $0x1  }
0x90: {  	_ =	swait.eq [sflag:s13], $0x1  }
0x91: {  	[sflag:s13] =	ssyncset.done $0x0  }
0x92: {  	s14 =	sld [smem:$0x10];
	[sflag:s13] =	ssyncadd.s32 $0xFFFFFFFF  }
0x93: {  	s15 =	sld [smem:$0x11];
	(tm) =	ssettm $0x1  }
0x94: {  	s16 =	sld [smem:$0x3FFB];
	_ =	sdelay $0x3  }
0x95: {  	_ =	strace s16  }
0x96: {  	s2 =	sld [smem:$0x3FFC];
	_ =	sdelay $0x3  }
0x97: {  	_ =	strace s2  }
0x98: {  	s2 =	sld [smem:$0x3FFD];
	_ =	sdelay $0x3  }
0x99: {  	_ =	strace s2  }
0x9a: {  	_ =	strace $0x8FFFFFFF  }
0x9b: {  	s17 =	sld [smem:$0x3FDB];
	_ =	sdelay $0x1  }
0x9c: {  	s3 =	simm.s32 $_scs_section_size  }
0x9d: {  	s4 =	simm.s32 $_size__tile_overlayer_lowered;
	s5 =	simm.s32 $_tile_overlayer_lowered  }
0x9e: {  	s20 =	simm.s32 $0x1BFF;
	s19 =	sshll.u32 s5, $0x1;
	s2 =	sadd.s32 s3, s17  }
0x9f: {  	s6 =	simm.s32 $0x0;
	s18 =	sshll.u32 s4, $0x1;
	s4 =	sadd.s32 s19, s2  }
0xa0: {  	[timem:s6], [sflag:s20] =	dma.local [hbm:s4], s18  }
0xa1: {  	_ =	swait.ge [sflag:s20], s18  }
0xa2: {  	s3 =	ssub.s32 $0x0, s18;
	[sflag:s20] =	ssyncset.done $0x0  }
0xa3: {  	[sflag:s20] =	ssyncadd.s32 s3;
	_ =	sdelay $0x1  }
0xa4: {  	s21 =	simm.s32 $0x1B8B  }
0xa5: {  	_ =	swait.ge [sflag:s21], $0x1  }
0xa6: {  	[sflag:s21] =	ssyncset.done $0x0  }
0xa7: {  	s23 =	simm.s32 $0x1B8E;
	s22 =	sld [smem:$0x3FFE];
	[sflag:s21] =	ssyncadd.s32 $0xFFFFFFFF  }
0xa8: {  	s24 =	simm.s32 $execute0_lowered;
	[smem:$0x3FD2] =	sst s23  }
0xa9: {  	s4 =	sshll.u32 s24, $0x1;
	_ =	strace $0x80000046;
	[dreg:$0x1] =	wrdreg $0xFFFFFFFF  }
0xaa: {  	s25 =	simm.s32 $_size_execute0_lowered;
	s2 =	sadd.s32 s2, s4;
	[dreg:$0x0] =	wrdreg $0x0  }
0xab: {  	s4 =	sshll.u32 s25, $0x1;
	[dreg:$0x2] =	wrdreg s2  }
0xac: {  	[dreg:$0x3] =	wrdreg s4  }
0xad: {  	[dreg:$0x4] =	wrdreg $0xC0  }
0xae: {  	_ =	task [dreg:s6], $0x5FFFF  }
0xaf: {  	[dreg:$0x1] =	wrdreg $0xFFFFFFFF  }
0xb0: {  	[dreg:$0x0] =	wrdreg $0x60  }
0xb1: {  	[dreg:$0x2] =	wrdreg s22  }
0xb2: {  	[dreg:$0x3] =	wrdreg s15  }
0xb3: {  	[dreg:$0x4] =	wrdreg s14  }
0xb4: {  	[dreg:$0x5] =	wrdreg $0x9  }
0xb5: {  	_ =	task.clear_ibuf [dreg:s6], $0x6FFFF;
	_ =	strace $0x90000046  }
0xb6: {  	s26 =	simm.s32 $0x9;
	_ =	strace $0x80000048  }
0xb7: {  	_ =	swait.ge [sflag:s26], $0x1  }
0xb8: {  	[sflag:s26] =	ssyncadd.s32 $0xFFFFFFFF  }
0xb9: {  	_ =	strace $0x90000048  }
0xba: {  	_ =	sfence  }
0xbb: {  	s28 =	sld [smem:$0x0];
	_ =	sdelay $0x1  }
0xbc: {  	s29 =	srdreg.scid  }
0xbd: {  	s30 =	sshll.u32 s29, $0xD;
	s31 =	sshrl.u32 s29, $0x2  }
0xbe: {  	s1 =	sand.u32 $0x1, s29;
	s2 =	sand.u32 $0x4000, s30;
	s0 =	sadd.s32 s31, s28  }
0xbf: {  	s1 =	sor.u32 s2, s1;
	s0 =	sshll.u32 s0, $0x11  }
0xc0: {  	s0 =	sor.u32 s0, s1  }
0xc1: {  	s0 =	sadd.s32 $0x8F2B, s0  }
0xc2: {  	[sflag:s0] =	ssyncadd.remote.s32 $0x1  }
0xc3: {  	_ =	sfence.sel $0xFFFF  }
0xc4: {  	[dreg:$0x0] =	wrdreg $0xFFFFFFFF;
	(pc) =	sbr.abs _section_cstart, $3  }
0xc5: {  	[dreg:$0x1] =	wrdreg $0xFFFFFFFF  }
0xc6: {  	_ =	task.clear_ibuf [dreg:s6], $0x2FFFF;
	_ =	strace $0x9FFFFFFF  }
0xc7: {  	(tm) =	ssettm $0x7FFFFFFF  }
tec
execute0_lowered:
.L_overlay_start_1:
0x0: {  	(tag) =	ssettag $0x1  }
0x1: {  	s5 =	rddreg [dreg:$0x0]  }
0x2: {  	s4 =	rddreg [dreg:$0x1]  }
0x3: {  	s2 =	rddreg [dreg:$0x2]  }
0x4: {  	s0 =	rddreg [dreg:$0x3];
	s3 =	simm.s32 $0x0;
	s1 =	stileid.u32  }
0x5: {  	[smem:$0x7FF] =	sst s3;
	s6 =	sshll.u32 s1, $0x5  }
0x6: {  	s28 =	simm.s32 $0x2;
	_ =	strace $0x80000047;
	s4 =	sadd.s32 s4, s6  }
0x7: {  	[tilespmem:s3], [sflag:$0x2] =	stream.linear.gather [hbm4b:s4+s3], $0x100, $0x38;
	[tilespmem:$0x8200] =	vst v63  }
0x8: {  	_ =	swait.ge [sflag:s28], $0x100  }
0x9: {  	[sflag:s28] =	ssyncset.done $0x0  }
0xa: {  	[sflag:s28] =	ssyncadd.s32 $0xFFFFFF00  }
0xb: {  	v0 =	vld [tilespmem:$0x0]  }
0xc: {  	v1 =	vld [tilespmem:$0x10]  }
0xd: {  	v2 =	vld [tilespmem:$0x20]  }
0xe: {  	v3 =	vld [tilespmem:$0x30]  }
0xf: {  	v4 =	vld [tilespmem:$0x40]  }
0x10: {  	v5 =	vld [tilespmem:$0x50];
	v0 =	vshra.s32 v0, $0x2  }
0x11: {  	v6 =	vld [tilespmem:$0x60];
	v1 =	vshra.s32 v1, $0x2;
	[tilespmem:$0x100] =	vst v0  }
0x12: {  	v56 =	vld [tilespmem:$0xB0];
	v2 =	vshra.s32 v2, $0x2;
	[tilespmem:$0x110] =	vst v1  }
0x13: {  	v57 =	vld [tilespmem:$0xC0];
	v3 =	vshra.s32 v3, $0x2;
	[tilespmem:$0x120] =	vst v2  }
0x14: {  	v58 =	vld [tilespmem:$0xD0];
	v4 =	vshra.s32 v4, $0x2;
	[tilespmem:$0x130] =	vst v3  }
0x15: {  	v52 =	vld [tilespmem:$0x70];
	v5 =	vshra.s32 v5, $0x2;
	[tilespmem:$0x140] =	vst v4  }
0x16: {  	v53 =	vld [tilespmem:$0x80];
	v6 =	vshra.s32 v6, $0x2;
	[tilespmem:$0x150] =	vst v5  }
0x17: {  	v54 =	vld [tilespmem:$0x90];
	v61 =	vshra.s32 v56, $0x2;
	[tilespmem:$0x160] =	vst v6  }
0x18: {  	v55 =	vld [tilespmem:$0xA0];
	v62 =	vshra.s32 v57, $0x2;
	[tilespmem:$0x1B0] =	vst v61  }
0x19: {  	v59 =	vld [tilespmem:$0xE0];
	v63 =	vshra.s32 v58, $0x2;
	[tilespmem:$0x1C0] =	vst v62  }
0x1a: {  	v60 =	vld [tilespmem:$0xF0];
	v0 =	vshra.s32 v52, $0x2;
	[tilespmem:$0x1D0] =	vst v63  }
0x1b: {  	v1 =	vshra.s32 v53, $0x2;
	[tilespmem:$0x170] =	vst v0  }
0x1c: {  	v2 =	vshra.s32 v54, $0x2;
	[tilespmem:$0x180] =	vst v1  }
0x1d: {  	v3 =	vshra.s32 v55, $0x2;
	[tilespmem:$0x190] =	vst v2  }
0x1e: {  	[tilespmem:$0x1A0] =	vst v3;
	v0 =	vshra.s32 v59, $0x2  }
0x1f: {  	s29 =	simm.s32 $0x100;
	v1 =	vshra.s32 v60, $0x2;
	[tilespmem:$0x1E0] =	vst v0  }
0x20: {  	s7 =	simm.s32 $0x200;
	s30 =	simm.s32 $0x1;
	s5 =	sadd.s32 $0x1400, s5;
	[tilespmem:$0x1F0] =	vst v1  }
0x21: {  	[tilespmem:s7], [sflag:$0x1] =	stream.indirect.gather [hbm4b:s5+s29], $0x80, s29, s29, $0xb8;
	[tilespmem:$0x8200] =	vst v63  }
0x22: {  	_ =	swait.ge [sflag:s30], $0x8000  }
0x23: {  	s31 =	sshll.u32 s1, $0xC;
	[sflag:s30] =	ssyncset.done $0x0  }
0x24: {  	s2 =	sadd.s32 s2, s31;
	[sflag:s30] =	ssyncadd.s32 $0xFFFF8000  }
0x25: {  	[hbm4b:s2+s3] =	stream.linear.scatter [tilespmem:s7], [sflag:$0x2], $0x8000, $0x38;
	[tilespmem:$0x8200] =	vst v63  }
0x26: {  	_ =	swait.ge [sflag:s28], $0x8000  }
0x27: {  	[sflag:s28] =	ssyncset.done $0x0  }
0x28: {  	[sflag:s28] =	ssyncadd.s32 $0xFFFF8000  }
0x29: {  	_ =	sfence.sel $0x180000  }
0x2a: {  	[bflag:$0x0] =	sbarrier.arrive $0xFFFF  }
0x2b: {  	p0 =	sne.s32 s1, $0x0;
	_ =	strace $0x90000047  }
0x2c: {  	s0 =	sadd.s32 @!p0 $0x100000, s0;
	[bflag:$0x2] =	sbarrier.arrive $0xFFFF  }
0x2d: {  	[sflag:s0] =	ssyncadd.tile.s32 @!p0 $0x1;
	_ =	shalt  }
.Lfunc_end2:
_tile_overlayer_lowered:
.L_overlay_start_2:
0x2e: {  	(tag) =	ssettag $0x2  }
0x2f: {  	s0 =	rddreg [dreg:$0x0];
	s2 =	stileid.u32  }
0x30: {  	s1 =	rddreg [dreg:$0x1];
	p0 =	sne.s32 s2, $0x0  }
0x31: {  	s3 =	rddreg [dreg:$0x2];
	[bflag:$0x3] =	sbarrier.arrive $0xFFFF;
	s2 =	simm.s32 @!p0 $0x1C02  }
0x32: {  	[timem:s3], [sflag:s2] =	dma.local @!p0 [hbm:s0], s1  }
0x33: {  	s0 =	simm.s32 @!p0 $0x2  }
0x34: {  	_ =	swait.ge @!p0 [sflag:s0], s1  }
0x35: {  	s1 =	ssub.s32 @!p0 $0x0, s1;
	[sflag:s0] =	ssyncset.done @!p0 $0x0  }
0x36: {  	[sflag:s0] =	ssyncadd.s32 @!p0 s1  }
0x37: {  	[bflag:$0x3] =	sbarrier.arrive $0xFFFF  }
0x38: {  	_ =	shalt  }

</sc_bundles>
